<compile_context>
chip_gen: v7x
topology: tpu7x:2x2x1
jax: 0.10.2.dev20260603
libtpu: 0.0.44.dev20260713+nightly
codegen_flags: <defaults>
</compile_context>

<pallas_src>
import functools

import jax
import jax.numpy as jnp
from jax import lax
from jax.experimental import pallas as pl
from jax.experimental.pallas import tpu as pltpu
from jax.experimental.pallas import tpu_sc as plsc

_NC = 2
_NS = 16
_NW = _NC * _NS
_L = 16

_HW = 512 * 512
_K = 4096
_NIDX = 3 * _K


def _tc_relayout(disp4d):
    g_rows = 64
    grid = 2048 // g_rows

    def body(x_ref, o_ref):
        x = x_ref[...]
        o_ref[...] = jnp.swapaxes(x, 1, 2).reshape(g_rows * 32, 128)

    return pl.pallas_call(
        body,
        grid=(grid,),
        in_specs=[pl.BlockSpec((g_rows, 4, 8, 128), lambda g: (g, 0, 0, 0))],
        out_specs=pl.BlockSpec((g_rows * 32, 128), lambda g: (g, 0)),
        out_shape=jax.ShapeDtypeStruct((65536, 128), jnp.float32),
    )(disp4d)


def _sc_fsloss(disp_flat, idx1d, lam1d):
    mesh = plsc.VectorSubcoreMesh(core_axis_name="c", subcore_axis_name="s")

    @functools.partial(
        pl.kernel,
        out_type=jax.ShapeDtypeStruct((_NW * _L,), jnp.float32),
        mesh=mesh,
        scratch_types=[
            pltpu.VMEM((_NIDX,), jnp.int32),
            pltpu.VMEM((_NIDX,), jnp.float32),
            pltpu.VMEM((_K,), jnp.float32),
            pltpu.VMEM((_L,), jnp.float32),
            pltpu.SemaphoreType.DMA,
            pltpu.SemaphoreType.DMA,
        ],
        compiler_params=pltpu.CompilerParams(skip_device_barrier=True),
    )
    def run(disp_hbm, idx_hbm, lam_hbm, out_hbm, idx_v, vals_v, lam_v,
            part_v, sem, lsem):
        w = lax.axis_index("s") * _NC + lax.axis_index("c")
        b = lax.rem(w, 4)

        lam_copy = pltpu.async_copy(lam_hbm.at[pl.ds(b * _K, _K)], lam_v, lsem)
        pltpu.sync_copy(idx_hbm.at[pl.ds(b * _NIDX, _NIDX)], idx_v)

        offv = jnp.full((_L,), w * _HW, dtype=jnp.int32)

        nblk = 8
        blk = _NIDX // nblk

        def gather_block(g, carry):
            def add_off(k, carry2):
                s0 = pl.ds(g * blk + k * 2 * _L, _L)
                s1 = pl.ds(g * blk + k * 2 * _L + _L, _L)
                idx_v[s0] = idx_v[s0] + offv
                idx_v[s1] = idx_v[s1] + offv
                return carry2

            lax.fori_loop(0, blk // (2 * _L), add_off, 0)
            sl = pl.ds(g * blk, blk)
            pltpu.async_copy(disp_hbm.at[idx_v.at[sl]], vals_v.at[sl], sem)
            return carry

        lax.fori_loop(0, nblk, gather_block, 0)
        lam_copy.wait()

        def drain(g, carry):
            sl = pl.ds(g * blk, blk)
            pltpu.make_async_copy(
                disp_hbm.at[idx_v.at[sl]], vals_v.at[sl], sem).wait()
            return carry

        lax.fori_loop(0, nblk, drain, 0)

        def body(k, accs):
            a0, a1 = accs
            s0 = pl.ds(k * 2 * _L, _L)
            s1 = pl.ds(k * 2 * _L + _L, _L)
            v1a = vals_v[s0]
            v2a = vals_v[pl.ds(_K + k * 2 * _L, _L)]
            v3a = vals_v[pl.ds(2 * _K + k * 2 * _L, _L)]
            lma = lam_v[s0]
            v1b = vals_v[s1]
            v2b = vals_v[pl.ds(_K + k * 2 * _L + _L, _L)]
            v3b = vals_v[pl.ds(2 * _K + k * 2 * _L + _L, _L)]
            lmb = lam_v[s1]
            a0 = a0 + jnp.abs(lma * (v2a - v1a) - (v3a - v1a))
            a1 = a1 + jnp.abs(lmb * (v2b - v1b) - (v3b - v1b))
            return (a0, a1)

        zero = jnp.zeros((_L,), jnp.float32)
        a0, a1 = lax.fori_loop(0, _K // (2 * _L), body, (zero, zero))
        acc = a0 + a1
        part_v[...] = acc
        pltpu.sync_copy(part_v, out_hbm.at[pl.ds(w * _L, _L)])

    return run(disp_flat, idx1d, lam1d)


def kernel(disp_preds, keysets, lambda_sets):
    gamma = 0.8
    weight = 1.0
    n_preds = disp_preds.shape[0]
    bs = disp_preds.shape[1]
    k = keysets.shape[-1]

    disp_flat = _tc_relayout(
        disp_preds.reshape(2048, 4, 8, 128)).reshape(-1)
    idx1d = keysets.reshape(-1)
    lam1d = lambda_sets.reshape(-1)

    parts = _sc_fsloss(disp_flat, idx1d, lam1d)
    psum = parts.reshape(n_preds, bs, _L).sum(axis=(1, 2))
    weights = gamma ** jnp.arange(n_preds - 1, -1, -1, dtype=jnp.float32)
    return (psum * weights).sum() / (bs * k) * weight

# --- scband reference (transcript-rebuilt; emitter-appended) ---
"""Pipeline reference for scband-sequence-fsloss-28020366639477 (READ-ONLY COPY).

The authoritative reference and input builder live on the scoring server;
editing this copy changes nothing except your own understanding.
"""

import jax, jax.numpy as jnp
import numpy as np


def setup_inputs(seed: int = 0) -> dict:
    key = jax.random.key(seed)
    k1, k2, k3 = jax.random.split(key, 3)
    # disp_preds: stacked sequence of 8 disparity predictions, each [B=4, 1, H=512, W=512].
    # Iterating over dim 0 of this tensor reproduces the Sequence[Tensor] semantics of the torch module.
    disp_preds = jax.random.uniform(k1, (8, 4, 1, 512, 512), dtype=jnp.float32)
    # keysets: [B, 1, 3, K] integer indices into the flattened H*W map (values < 512*512).
    keysets = jax.random.randint(k2, (4, 1, 3, 4096), 0, 512 * 512, dtype=jnp.int32)
    # lambda_sets: [B, 1, K] scale factors.
    lambda_sets = jax.random.uniform(k3, (4, 1, 4096), dtype=jnp.float32)
    return {"disp_preds": disp_preds, "keysets": keysets, "lambda_sets": lambda_sets}


def reference(disp_preds, keysets, lambda_sets):
    gamma = 0.8
    weight = 1.0
    n_preds = disp_preds.shape[0]
    bs, _, h, w = disp_preds[0].shape
    if lambda_sets.ndim == 4:
        lambda_sets = jnp.squeeze(lambda_sets, axis=1)
    fs_loss = 0.0
    for i in range(n_preds):
        i_weight = gamma ** (n_preds - i - 1)
        flatten_pred_i = disp_preds[i].reshape(bs, 1, h * w)
        idx1 = keysets[:, :, 0]  # [bs, 1, K]
        idx2 = keysets[:, :, 1]
        idx3 = keysets[:, :, 2]
        disp_1 = jnp.take_along_axis(flatten_pred_i, idx1, axis=2)
        disp_2 = jnp.take_along_axis(flatten_pred_i, idx2, axis=2)
        disp_3 = jnp.take_along_axis(flatten_pred_i, idx3, axis=2)
        i_loss = jnp.abs(lambda_sets * (disp_2 - disp_1) - (disp_3 - disp_1))
        fs_loss = fs_loss + i_weight * jnp.mean(i_loss)
    return fs_loss * weight

if __name__ == "__main__":
    import jax
    _d = setup_inputs()
    print(jax.jit(kernel)(*tuple(_d.values())))

</pallas_src>

<mosaic_0001>
#map = affine_map<(d0, d1) -> (0)>
module attributes {stable_mosaic.version = 14 : i64} {
  func.func @run(%arg0: i32, %arg1: i32, %arg2: memref<8388608xf32, #tpu.memory_space<hbm>>, %arg3: memref<49152xi32, #tpu.memory_space<hbm>>, %arg4: memref<16384xf32, #tpu.memory_space<hbm>>, %arg5: memref<512xf32, #tpu.memory_space<hbm>>, %arg6: memref<12288xi32, #tpu.memory_space<vmem>>, %arg7: memref<12288xf32, #tpu.memory_space<vmem>>, %arg8: memref<4096xf32, #tpu.memory_space<vmem>>, %arg9: memref<16xf32, #tpu.memory_space<vmem>>, %arg10: memref<!tpu.dma_semaphore, #tpu.memory_space<semaphore_mem>>, %arg11: memref<!tpu.dma_semaphore, #tpu.memory_space<semaphore_mem>>) attributes {dimension_semantics = [#tpu.dimension_semantics<core_parallel>, #tpu.dimension_semantics<subcore_parallel>], iteration_bounds = array<i64: 2, 16>, scalar_prefetch = 0 : i64, scratch_operands = 6 : i64, tpu.core_type = #tpu.core_type<sc_vector_subcore>, window_params = [{transform_indices = #map}, {transform_indices = #map}, {transform_indices = #map}, {transform_indices = #map}]} {
    %mul3A = arith.constant 2 : i32
    %mul3A_0 = arith.muli %arg1, %mul3A : i32
    %add3A = arith.addi %mul3A_0, %arg0 : i32
    %rem3A = arith.constant 4 : i32
    %rem3A_1 = arith.remsi %add3A, %rem3A : i32
    %mul3A_2 = arith.constant 4096 : i32
    %mul3A_3 = arith.muli %rem3A_1, %mul3A_2 : i32
    %dma_start3A = tpu.memref_slice %arg4[%mul3A_3] : memref<16384xf32, #tpu.memory_space<hbm>> -> memref<4096xf32, #tpu.memory_space<hbm>>
    %dma_start3A_4 = tpu.memref_slice %arg4[%mul3A_3] : memref<16384xf32, #tpu.memory_space<hbm>> -> memref<4096xf32, #tpu.memory_space<hbm>>
    tpu.enqueue_dma source(%dma_start3A_4 : memref<4096xf32, #tpu.memory_space<hbm>>) target(%arg8 : memref<4096xf32, #tpu.memory_space<vmem>>) target_semaphore(%arg11 : memref<!tpu.dma_semaphore, #tpu.memory_space<semaphore_mem>>)
    %mul3A_5 = arith.constant 12288 : i32
    %mul3A_6 = arith.muli %rem3A_1, %mul3A_5 : i32
    "tpu.region"() ({
      %run_scoped3A = tpu.sem_alloc : memref<!tpu.dma_semaphore, #tpu.memory_space<semaphore_mem>>
      %dma_start3A_35 = tpu.memref_slice %arg3[%mul3A_6] : memref<49152xi32, #tpu.memory_space<hbm>> -> memref<12288xi32, #tpu.memory_space<hbm>>
      %dma_start3A_36 = tpu.memref_slice %arg3[%mul3A_6] : memref<49152xi32, #tpu.memory_space<hbm>> -> memref<12288xi32, #tpu.memory_space<hbm>>
      tpu.enqueue_dma source(%dma_start3A_36 : memref<12288xi32, #tpu.memory_space<hbm>>) target(%arg6 : memref<12288xi32, #tpu.memory_space<vmem>>) target_semaphore(%run_scoped3A : memref<!tpu.dma_semaphore, #tpu.memory_space<semaphore_mem>>)
      %dma_wait3A_37 = tpu.memref_slice %arg3[%mul3A_6] : memref<49152xi32, #tpu.memory_space<hbm>> -> memref<12288xi32, #tpu.memory_space<hbm>>
      %dma_wait3A_38 = tpu.memref_slice %arg3[%mul3A_6] : memref<49152xi32, #tpu.memory_space<hbm>> -> memref<12288xi32, #tpu.memory_space<hbm>>
      tpu.wait_dma2 semaphore(%run_scoped3A : memref<!tpu.dma_semaphore, #tpu.memory_space<semaphore_mem>>) src(%dma_wait3A_38 : memref<12288xi32, #tpu.memory_space<hbm>>) dst(%arg6 : memref<12288xi32, #tpu.memory_space<vmem>>)
      tpu.yield
    }) : () -> ()
    %mul3A_7 = arith.constant 262144 : i32
    %mul3A_8 = arith.muli %add3A, %mul3A_7 : i32
    %broadcast_in_dim3A = vector.broadcast %mul3A_8 : i32 to vector<16xi32>
    %scan3A = arith.constant 0 : i32
    %scan3A_9 = arith.constant 0 : i32
    %scan3A_10 = arith.constant 8 : i32
    %scan3A_11 = arith.addi %scan3A_9, %scan3A_10 : i32
    %scan3A_12 = arith.constant 1 : i32
    scf.for %scan3A_35 = %scan3A_9 to %scan3A_11 step %scan3A_12  : i32 {
      %scan3A_36 = arith.constant 0 : i32
      %scan3A_37 = arith.constant 0 : i32
      %scan3A_38 = arith.constant 48 : i32
      %scan3A_39 = arith.addi %scan3A_37, %scan3A_38 : i32
      %scan3A_40 = arith.constant 1 : i32
      scf.for %scan3A_48 = %scan3A_37 to %scan3A_39 step %scan3A_40  : i32 {
        %mul3A_49 = arith.constant 1536 : i32
        %mul3A_50 = arith.muli %scan3A_35, %mul3A_49 : i32
        %mul3A_51 = arith.constant 2 : i32
        %mul3A_52 = arith.muli %scan3A_48, %mul3A_51 : i32
        %mul3A_53 = arith.constant 16 : i32
        %mul3A_54 = arith.muli %mul3A_52, %mul3A_53 : i32
        %add3A_55 = arith.addi %mul3A_50, %mul3A_54 : i32
        %mul3A_56 = arith.constant 1536 : i32
        %mul3A_57 = arith.muli %scan3A_35, %mul3A_56 : i32
        %mul3A_58 = arith.constant 2 : i32
        %mul3A_59 = arith.muli %scan3A_48, %mul3A_58 : i32
        %mul3A_60 = arith.constant 16 : i32
        %mul3A_61 = arith.muli %mul3A_59, %mul3A_60 : i32
        %add3A_62 = arith.addi %mul3A_57, %mul3A_61 : i32
        %add3A_63 = arith.constant 16 : i32
        %add3A_64 = arith.addi %add3A_62, %add3A_63 : i32
        %get3A = arith.index_cast %add3A_55 : i32 to index
        %get3A_65 = tpu.vector_load %arg6[%get3A] {strides = array<i32>} : memref<12288xi32, #tpu.memory_space<vmem>>, vector<16xi32>,
        %get3A_66 = vector.shape_cast %get3A_65 : vector<16xi32> to vector<16xi32>
        %add3A_67 = arith.addi %get3A_66, %broadcast_in_dim3A : vector<16xi32>
        %swap3A_68 = arith.index_cast %add3A_55 : i32 to index
        %swap3A_69 = tpu.vector_load %arg6[%swap3A_68] {strides = array<i32>} : memref<12288xi32, #tpu.memory_space<vmem>>, vector<16xi32>,
        %swap3A_70 = vector.shape_cast %swap3A_69 : vector<16xi32> to vector<16xi32>
        %swap3A_71 = vector.shape_cast %add3A_67 : vector<16xi32> to vector<16xi32>
        tpu.vector_store %arg6[%swap3A_68], %swap3A_71 {strides = array<i32>} : memref<12288xi32, #tpu.memory_space<vmem>>, vector<16xi32>,
        %get3A_72 = arith.index_cast %add3A_64 : i32 to index
        %get3A_73 = tpu.vector_load %arg6[%get3A_72] {strides = array<i32>} : memref<12288xi32, #tpu.memory_space<vmem>>, vector<16xi32>,
        %get3A_74 = vector.shape_cast %get3A_73 : vector<16xi32> to vector<16xi32>
        %add3A_75 = arith.addi %get3A_74, %broadcast_in_dim3A : vector<16xi32>
        %swap3A_76 = arith.index_cast %add3A_64 : i32 to index
        %swap3A_77 = tpu.vector_load %arg6[%swap3A_76] {strides = array<i32>} : memref<12288xi32, #tpu.memory_space<vmem>>, vector<16xi32>,
        %swap3A_78 = vector.shape_cast %swap3A_77 : vector<16xi32> to vector<16xi32>
        %swap3A_79 = vector.shape_cast %add3A_75 : vector<16xi32> to vector<16xi32>
        tpu.vector_store %arg6[%swap3A_76], %swap3A_79 {strides = array<i32>} : memref<12288xi32, #tpu.memory_space<vmem>>, vector<16xi32>,
      }
      %scan3A_41 = arith.constant 48 : i32
      %mul3A_42 = arith.constant 1536 : i32
      %mul3A_43 = arith.muli %scan3A_35, %mul3A_42 : i32
      %dma_start3A_44 = tpu.memref_slice %arg7[%mul3A_43] : memref<12288xf32, #tpu.memory_space<vmem>> -> memref<1536xf32, #tpu.memory_space<vmem>>
      %dma_start3A_45 = tpu.memref_slice %arg6[%mul3A_43] : memref<12288xi32, #tpu.memory_space<vmem>> -> memref<1536xi32, #tpu.memory_space<vmem>>
      %dma_start3A_46 = arith.constant 0 : i32
      %dma_start3A_47 = tpu.memref_slice %arg2[%dma_start3A_46] : memref<8388608xf32, #tpu.memory_space<hbm>> -> memref<8388608xf32, #tpu.memory_space<hbm>>
      tpu.enqueue_indirect_dma source(%dma_start3A_47 : memref<8388608xf32, #tpu.memory_space<hbm>>) target(%dma_start3A_44 : memref<1536xf32, #tpu.memory_space<vmem>>) offsets(%dma_start3A_45 : memref<1536xi32, #tpu.memory_space<vmem>>) semaphore(%arg10 : memref<!tpu.dma_semaphore, #tpu.memory_space<semaphore_mem>>)
    }
    %scan3A_13 = arith.constant 8 : i32
    %dma_wait3A = tpu.memref_slice %arg4[%mul3A_3] : memref<16384xf32, #tpu.memory_space<hbm>> -> memref<4096xf32, #tpu.memory_space<hbm>>
    %dma_wait3A_14 = tpu.memref_slice %arg4[%mul3A_3] : memref<16384xf32, #tpu.memory_space<hbm>> -> memref<4096xf32, #tpu.memory_space<hbm>>
    tpu.wait_dma2 semaphore(%arg11 : memref<!tpu.dma_semaphore, #tpu.memory_space<semaphore_mem>>) src(%dma_wait3A_14 : memref<4096xf32, #tpu.memory_space<hbm>>) dst(%arg8 : memref<4096xf32, #tpu.memory_space<vmem>>)
    %scan3A_15 = arith.constant 0 : i32
    %scan3A_16 = arith.constant 0 : i32
    %scan3A_17 = arith.constant 8 : i32
    %scan3A_18 = arith.addi %scan3A_16, %scan3A_17 : i32
    %scan3A_19 = arith.constant 1 : i32
    scf.for %scan3A_35 = %scan3A_16 to %scan3A_18 step %scan3A_19  : i32 {
      %mul3A_36 = arith.constant 1536 : i32
      %mul3A_37 = arith.muli %scan3A_35, %mul3A_36 : i32
      %dma_wait3A_38 = tpu.memref_slice %arg7[%mul3A_37] : memref<12288xf32, #tpu.memory_space<vmem>> -> memref<1536xf32, #tpu.memory_space<vmem>>
      %dma_wait3A_39 = tpu.memref_slice %arg6[%mul3A_37] : memref<12288xi32, #tpu.memory_space<vmem>> -> memref<1536xi32, #tpu.memory_space<vmem>>
      %dma_wait3A_40 = arith.constant 0 : i32
      %dma_wait3A_41 = tpu.memref_slice %arg2[%dma_wait3A_40] : memref<8388608xf32, #tpu.memory_space<hbm>> -> memref<8388608xf32, #tpu.memory_space<hbm>>
      tpu.wait_indirect_dma semaphore(%arg10 : memref<!tpu.dma_semaphore, #tpu.memory_space<semaphore_mem>>) src(%dma_wait3A_41 : memref<8388608xf32, #tpu.memory_space<hbm>>) dst(%dma_wait3A_38 : memref<1536xf32, #tpu.memory_space<vmem>>)
    }
    %scan3A_20 = arith.constant 8 : i32
    %broadcast_in_dim3A_21 = arith.constant 0.000000e+00 : f32
    %broadcast_in_dim3A_22 = vector.broadcast %broadcast_in_dim3A_21 : f32 to vector<16xf32>
    %scan3A_23 = arith.constant 0 : i32
    %scan3A_24 = arith.constant 128 : i32
    %scan3A_25 = arith.addi %scan3A_23, %scan3A_24 : i32
    %scan3A_26 = arith.constant 1 : i32
    %scan3A_27:2 = scf.for %scan3A_35 = %scan3A_23 to %scan3A_25 step %scan3A_26 iter_args(%scan3A_36 = %broadcast_in_dim3A_22, %scan3A_37 = %broadcast_in_dim3A_22) -> (vector<16xf32>, vector<16xf32>)  : i32 {
      %mul3A_38 = arith.constant 2 : i32
      %mul3A_39 = arith.muli %scan3A_35, %mul3A_38 : i32
      %mul3A_40 = arith.constant 16 : i32
      %mul3A_41 = arith.muli %mul3A_39, %mul3A_40 : i32
      %mul3A_42 = arith.constant 2 : i32
      %mul3A_43 = arith.muli %scan3A_35, %mul3A_42 : i32
      %mul3A_44 = arith.constant 16 : i32
      %mul3A_45 = arith.muli %mul3A_43, %mul3A_44 : i32
      %add3A_46 = arith.constant 16 : i32
      %add3A_47 = arith.addi %mul3A_45, %add3A_46 : i32
      %get3A = arith.index_cast %mul3A_41 : i32 to index
      %get3A_48 = tpu.vector_load %arg7[%get3A] {strides = array<i32>} : memref<12288xf32, #tpu.memory_space<vmem>>, vector<16xf32>,
      %get3A_49 = vector.shape_cast %get3A_48 : vector<16xf32> to vector<16xf32>
      %mul3A_50 = arith.constant 2 : i32
      %mul3A_51 = arith.muli %scan3A_35, %mul3A_50 : i32
      %mul3A_52 = arith.constant 16 : i32
      %mul3A_53 = arith.muli %mul3A_51, %mul3A_52 : i32
      %add3A_54 = arith.constant 4096 : i32
      %add3A_55 = arith.addi %add3A_54, %mul3A_53 : i32
      %get3A_56 = arith.index_cast %add3A_55 : i32 to index
      %get3A_57 = tpu.vector_load %arg7[%get3A_56] {strides = array<i32>} : memref<12288xf32, #tpu.memory_space<vmem>>, vector<16xf32>,
      %get3A_58 = vector.shape_cast %get3A_57 : vector<16xf32> to vector<16xf32>
      %mul3A_59 = arith.constant 2 : i32
      %mul3A_60 = arith.muli %scan3A_35, %mul3A_59 : i32
      %mul3A_61 = arith.constant 16 : i32
      %mul3A_62 = arith.muli %mul3A_60, %mul3A_61 : i32
      %add3A_63 = arith.constant 8192 : i32
      %add3A_64 = arith.addi %add3A_63, %mul3A_62 : i32
      %get3A_65 = arith.index_cast %add3A_64 : i32 to index
      %get3A_66 = tpu.vector_load %arg7[%get3A_65] {strides = array<i32>} : memref<12288xf32, #tpu.memory_space<vmem>>, vector<16xf32>,
      %get3A_67 = vector.shape_cast %get3A_66 : vector<16xf32> to vector<16xf32>
      %get3A_68 = arith.index_cast %mul3A_41 : i32 to index
      %get3A_69 = tpu.vector_load %arg8[%get3A_68] {strides = array<i32>} : memref<4096xf32, #tpu.memory_space<vmem>>, vector<16xf32>,
      %get3A_70 = vector.shape_cast %get3A_69 : vector<16xf32> to vector<16xf32>
      %get3A_71 = arith.index_cast %add3A_47 : i32 to index
      %get3A_72 = tpu.vector_load %arg7[%get3A_71] {strides = array<i32>} : memref<12288xf32, #tpu.memory_space<vmem>>, vector<16xf32>,
      %get3A_73 = vector.shape_cast %get3A_72 : vector<16xf32> to vector<16xf32>
      %mul3A_74 = arith.constant 2 : i32
      %mul3A_75 = arith.muli %scan3A_35, %mul3A_74 : i32
      %mul3A_76 = arith.constant 16 : i32
      %mul3A_77 = arith.muli %mul3A_75, %mul3A_76 : i32
      %add3A_78 = arith.constant 4096 : i32
      %add3A_79 = arith.addi %add3A_78, %mul3A_77 : i32
      %add3A_80 = arith.constant 16 : i32
      %add3A_81 = arith.addi %add3A_79, %add3A_80 : i32
      %get3A_82 = arith.index_cast %add3A_81 : i32 to index
      %get3A_83 = tpu.vector_load %arg7[%get3A_82] {strides = array<i32>} : memref<12288xf32, #tpu.memory_space<vmem>>, vector<16xf32>,
      %get3A_84 = vector.shape_cast %get3A_83 : vector<16xf32> to vector<16xf32>
      %mul3A_85 = arith.constant 2 : i32
      %mul3A_86 = arith.muli %scan3A_35, %mul3A_85 : i32
      %mul3A_87 = arith.constant 16 : i32
      %mul3A_88 = arith.muli %mul3A_86, %mul3A_87 : i32
      %add3A_89 = arith.constant 8192 : i32
      %add3A_90 = arith.addi %add3A_89, %mul3A_88 : i32
      %add3A_91 = arith.constant 16 : i32
      %add3A_92 = arith.addi %add3A_90, %add3A_91 : i32
      %get3A_93 = arith.index_cast %add3A_92 : i32 to index
      %get3A_94 = tpu.vector_load %arg7[%get3A_93] {strides = array<i32>} : memref<12288xf32, #tpu.memory_space<vmem>>, vector<16xf32>,
      %get3A_95 = vector.shape_cast %get3A_94 : vector<16xf32> to vector<16xf32>
      %get3A_96 = arith.index_cast %add3A_47 : i32 to index
      %get3A_97 = tpu.vector_load %arg8[%get3A_96] {strides = array<i32>} : memref<4096xf32, #tpu.memory_space<vmem>>, vector<16xf32>,
      %get3A_98 = vector.shape_cast %get3A_97 : vector<16xf32> to vector<16xf32>
      %sub3A = arith.subf %get3A_58, %get3A_49 : vector<16xf32>
      %mul3A_99 = arith.mulf %get3A_70, %sub3A : vector<16xf32>
      %sub3A_100 = arith.subf %get3A_67, %get3A_49 : vector<16xf32>
      %sub3A_101 = arith.subf %mul3A_99, %sub3A_100 : vector<16xf32>
      %abs3A = math.absf %sub3A_101 : vector<16xf32>
      %add3A_102 = arith.addf %scan3A_36, %abs3A : vector<16xf32>
      %sub3A_103 = arith.subf %get3A_84, %get3A_73 : vector<16xf32>
      %mul3A_104 = arith.mulf %get3A_98, %sub3A_103 : vector<16xf32>
      %sub3A_105 = arith.subf %get3A_95, %get3A_73 : vector<16xf32>
      %sub3A_106 = arith.subf %mul3A_104, %sub3A_105 : vector<16xf32>
      %abs3A_107 = math.absf %sub3A_106 : vector<16xf32>
      %add3A_108 = arith.addf %scan3A_37, %abs3A_107 : vector<16xf32>
      scf.yield %add3A_102, %add3A_108 : vector<16xf32>, vector<16xf32>
    }
    %scan3A_28 = arith.constant 128 : i32
    %add3A_29 = arith.addf %scan3A_27#0, %scan3A_27#1 : vector<16xf32>
    %swap3A = arith.constant 0 : index
    %swap3A_30 = tpu.vector_load %arg9[%swap3A] {strides = array<i32>} : memref<16xf32, #tpu.memory_space<vmem>>, vector<16xf32>,
    %swap3A_31 = vector.shape_cast %swap3A_30 : vector<16xf32> to vector<16xf32>
    %swap3A_32 = vector.shape_cast %add3A_29 : vector<16xf32> to vector<16xf32>
    tpu.vector_store %arg9[%swap3A], %swap3A_32 {strides = array<i32>} : memref<16xf32, #tpu.memory_space<vmem>>, vector<16xf32>,
    %mul3A_33 = arith.constant 16 : i32
    %mul3A_34 = arith.muli %add3A, %mul3A_33 : i32
    "tpu.region"() ({
      %run_scoped3A = tpu.sem_alloc : memref<!tpu.dma_semaphore, #tpu.memory_space<semaphore_mem>>
      %dma_start3A_35 = tpu.memref_slice %arg5[%mul3A_34] : memref<512xf32, #tpu.memory_space<hbm>> -> memref<16xf32, #tpu.memory_space<hbm>>
      %dma_start3A_36 = tpu.memref_slice %arg5[%mul3A_34] : memref<512xf32, #tpu.memory_space<hbm>> -> memref<16xf32, #tpu.memory_space<hbm>>
      tpu.enqueue_dma source(%arg9 : memref<16xf32, #tpu.memory_space<vmem>>) target(%dma_start3A_36 : memref<16xf32, #tpu.memory_space<hbm>>) target_semaphore(%run_scoped3A : memref<!tpu.dma_semaphore, #tpu.memory_space<semaphore_mem>>)
      %dma_wait3A_37 = tpu.memref_slice %arg5[%mul3A_34] : memref<512xf32, #tpu.memory_space<hbm>> -> memref<16xf32, #tpu.memory_space<hbm>>
      %dma_wait3A_38 = tpu.memref_slice %arg5[%mul3A_34] : memref<512xf32, #tpu.memory_space<hbm>> -> memref<16xf32, #tpu.memory_space<hbm>>
      tpu.wait_dma2 semaphore(%run_scoped3A : memref<!tpu.dma_semaphore, #tpu.memory_space<semaphore_mem>>) src(%arg9 : memref<16xf32, #tpu.memory_space<vmem>>) dst(%dma_wait3A_38 : memref<16xf32, #tpu.memory_space<hbm>>)
      tpu.yield
    }) : () -> ()
    return
  }
}

module attributes {stable_mosaic.version = 14 : i64} {
  func.func @body(%arg0: i32, %arg1: memref<64x4x8x128xf32, #tpu.memory_space<vmem>>, %arg2: memref<2048x128xf32, #tpu.memory_space<vmem>>) attributes {dimension_semantics = [#tpu.dimension_semantics<arbitrary>], iteration_bounds = array<i64: 32>, scalar_prefetch = 0 : i64, scratch_operands = 0 : i64, tpu.core_type = #tpu.core_type<tc>, window_params = [{transform_indices = @transform_0, window_bounds = array<i64: 64, 4, 8, 128>}, {transform_indices = @transform_1, window_bounds = array<i64: 2048, 128>}]} {
    %get3A = arith.constant 0 : index
    %get3A_0 = arith.constant 0 : index
    %get3A_1 = arith.constant 0 : index
    %get3A_2 = arith.constant 0 : index
    %get3A_3 = vector.load %arg1[%get3A, %get3A_0, %get3A_1, %get3A_2] : memref<64x4x8x128xf32, #tpu.memory_space<vmem>>, vector<64x4x8x128xf32>
    %transpose3A = tpu.transpose %get3A_3, [0, 2, 1, 3] : vector<64x4x8x128xf32> -> vector<64x8x4x128xf32>
    %reshape3A = vector.shape_cast %transpose3A : vector<64x8x4x128xf32> to vector<2048x128xf32>
    %swap3A = arith.constant 0 : index
    %swap3A_4 = arith.constant 0 : index
    %swap3A_5 = vector.load %arg2[%swap3A, %swap3A_4] : memref<2048x128xf32, #tpu.memory_space<vmem>>, vector<2048x128xf32>
    tpu.vector_store %arg2[%swap3A, %swap3A_4], %reshape3A {strides = array<i32>} : memref<2048x128xf32, #tpu.memory_space<vmem>>, vector<2048x128xf32>,
    return
  }
  func.func @transform_0(%arg0: i32) -> (i32, i32, i32, i32) {
    %c0_i32 = arith.constant 0 : i32
    %c0_i32_0 = arith.constant 0 : i32
    %c0_i32_1 = arith.constant 0 : i32
    %c0_i32_2 = arith.constant 0 : i32
    return %arg0, %c0_i32, %c0_i32_0, %c0_i32_1 : i32, i32, i32, i32
  }
  func.func @transform_1(%arg0: i32) -> (i32, i32) {
    %c0_i32 = arith.constant 0 : i32
    %c0_i32_0 = arith.constant 0 : i32
    return %arg0, %c0_i32 : i32, i32
  }
}

</mosaic_0001>

<sc_bundles>
// kernel: kernel.4.cloned.1.call-start
scs
__scs_entry_jumppad:
0x0: {  	(pc) =	sbr.rel $0x88, $3  }
0x1: {  	(tag) =	ssettag $0x0;
	lr =	simm.s32 $0x1  }
0x2: {  	[smem:$0x3F9E] =	sst lr;
	_ =	strace $0xD0000000  }
0x3: {  	_ = 	snop  }
0x4: {  	_ = 	snop  }
0x5: {  	_ = 	snop  }
0x6: {  	_ = 	snop  }
0x7: {  	_ = 	snop  }
__scs_overlays_trampoline_lowered:
0x8: {  	[smem:$0x3FAD] =	sst s0  }
0x9: {  	[smem:$0x3FAE] =	sst s1  }
0xa: {  	[smem:$0x3FAF] =	sst s2  }
0xb: {  	[smem:$0x3FB0] =	sst s3  }
0xc: {  	[smem:$0x3FB1] =	sst s4  }
0xd: {  	[smem:$0x3FB2] =	sst s5  }
0xe: {  	[smem:$0x3FB3] =	sst s6  }
0xf: {  	[smem:$0x3FB4] =	sst s7  }
0x10: {  	[smem:$0x3FB5] =	sst s8  }
0x11: {  	[smem:$0x3FB6] =	sst s9;
	s0 =	simm.s32 @!p0 $0x0  }
0x12: {  	s1 =	sld [smem:$0x3F9C];
	s0 =	simm.s32 @p0 $0x1  }
0x13: {  	[smem:$0x3FB7] =	sst s0;
	s0 =	simm.s32 @!p1 $0x0  }
0x14: {  	s2 =	sld [smem:$0x3F9B];
	s0 =	simm.s32 @p1 $0x1  }
0x15: {  	[smem:$0x3FB8] =	sst s0;
	s0 =	simm.s32 @!p2 $0x0  }
0x16: {  	s3 =	sld [smem:$0x3FDB];
	s0 =	simm.s32 @p2 $0x1  }
0x17: {  	s4 =	simm.s32 $0x1BF5;
	[smem:$0x3FBA] =	sst s0  }
0x18: {  	s0 =	sld [smem:$0x3F9D];
	_ =	swait.ge [sflag:s4], $0x0  }
0x19: {  	s7 =	sld [smem:$0x3F9E]  }
0x1a: {  	s8 =	sadd.s32 $0xFFFFE003, lr  }
0x1b: {  	s9 =	sadd.s32 $0xFFFFFEF7, lr;
	s5 =	simm.s32 $0xFFFFFFFF;
	p2 =	slt.u32 s8, $0xFFFFF086  }
0x1c: {  	p1 =	slt.u32 s9, $0xF7A;
	s5 =	simm.s32 @!p2 $0x0  }
0x1d: {  	s5 =	simm.s32 @p1 $0x1;
	p0 =	seq.s32 s7, s2  }
0x1e: {  	s7 =	smul.u32 @!p0 $0xF7A, s2;
	p2 =	seq.s32 @!p0 s5, $0x0  }
0x1f: {  	s9 =	smul.u32 $0xF7A, s1;
	s8 =	simm.s32 @!p0 $0x1BF5;
	p2 =	por !p2, p0  }
0x20: {  	[sflag:s8] =	ssyncset.s32 @!p0 $0xFFFFF086;
	s6 =	sadd.s32 @!p0 s3, s7;
	s7 =	simm.s32 @!p0 $0x108  }
0x21: {  	s3 =	sadd.s32 s3, s9;
	s6 =	sadd.s32 @!p0 $0x88, s6;
	s7 =	simm.s32 @p2 $0x1082  }
0x22: {  	[simem:s7], [sflag:s8] =	dma.local @!p0 [hbm:s6], $0xF7A  }
0x23: {  	s9 =	sor.u32 $0xD0000000, s2;
	s6 =	simm.s32 $0x108;
	_ =	swait.ge @!p0 [sflag:s8], $0x0  }
0x24: {  	s3 =	sadd.s32 $0x88, s3;
	s6 =	simm.s32 @!p1 $0x1082;
	[sflag:s4] =	ssyncset.s32 $0xFFFFF086  }
0x25: {  	[simem:s6], [sflag:s4] =	dma.local [hbm:s3], $0xF7A  }
0x26: {  	[smem:$0x3F9E] =	sst s1;
	(tag) =	ssettag s2;
	_ =	strace s9  }
0x27: {  	s1 =	sld [smem:$0x3FAE]  }
0x28: {  	s2 =	sld [smem:$0x3FAF]  }
0x29: {  	s4 =	sld [smem:$0x3FB1]  }
0x2a: {  	p0 =	seq.s32 s5, $0x0;
	s5 =	sld [smem:$0x3FB2]  }
0x2b: {  	s6 =	sld [smem:$0x3FB3]  }
0x2c: {  	s7 =	sld [smem:$0x3FB4]  }
0x2d: {  	s3 =	simm.s32 $0x108;
	s8 =	sld [smem:$0x3FB5]  }
0x2e: {  	s3 =	simm.s32 @!p0 $0x1082;
	s9 =	sld [smem:$0x3FB6]  }
0x2f: {  	lr =	sadd.s32 s0, s3;
	s0 =	sld [smem:$0x3FAD]  }
0x30: {  	s3 =	sld [smem:$0x3FB0]  }
0x31: {  	[smem:$0x3FB9] =	sst s10  }
0x32: {  	s10 =	sld [smem:$0x3FB7];
	_ =	sdelay $0x3  }
0x33: {  	p0 =	seq.s32 s10, $0x1;
	s10 =	sld [smem:$0x3FB9];
	_ =	sdelay $0x3  }
0x34: {  	[smem:$0x3FB9] =	sst s10  }
0x35: {  	s10 =	sld [smem:$0x3FB8];
	_ =	sdelay $0x3  }
0x36: {  	p1 =	seq.s32 s10, $0x1;
	s10 =	sld [smem:$0x3FB9];
	_ =	sdelay $0x3  }
0x37: {  	[smem:$0x3FB9] =	sst s10  }
0x38: {  	s10 =	sld [smem:$0x3FBA]  }
0x39: {  	_ = 	snop;
	(pc) =	sbr.ind lr, $3  }
0x3a: {  	_ = 	snop  }
0x3b: {  	_ = 	snop  }
0x3c: {  	p2 =	seq.s32 s10, $0x1;
	s10 =	sld [smem:$0x3FB9]  }
0x3d: {  	_ =	shalt  }
0x3e: {  	_ =	shalt  }
0x3f: {  	_ =	shalt  }
0x40: {  	_ =	shalt  }
0x41: {  	_ =	shalt  }
0x42: {  	_ =	shalt  }
0x43: {  	_ =	shalt  }
0x44: {  	_ =	shalt  }
0x45: {  	_ =	shalt  }
0x46: {  	_ =	shalt  }
0x47: {  	_ =	shalt  }
0x48: {  	_ =	shalt  }
0x49: {  	_ =	shalt  }
0x4a: {  	_ =	shalt  }
0x4b: {  	_ =	shalt  }
0x4c: {  	_ =	shalt  }
0x4d: {  	_ =	shalt  }
0x4e: {  	_ =	shalt  }
0x4f: {  	_ =	shalt  }
0x50: {  	_ =	shalt  }
0x51: {  	_ =	shalt  }
0x52: {  	_ =	shalt  }
0x53: {  	_ =	shalt  }
0x54: {  	_ =	shalt  }
0x55: {  	_ =	shalt  }
0x56: {  	_ =	shalt  }
0x57: {  	_ =	shalt  }
0x58: {  	_ =	shalt  }
0x59: {  	_ =	shalt  }
0x5a: {  	_ =	shalt  }
0x5b: {  	_ =	shalt  }
0x5c: {  	_ =	shalt  }
0x5d: {  	_ =	shalt  }
0x5e: {  	_ =	shalt  }
0x5f: {  	_ =	shalt  }
0x60: {  	_ =	shalt  }
0x61: {  	_ =	shalt  }
0x62: {  	_ =	shalt  }
0x63: {  	_ =	shalt  }
0x64: {  	_ =	shalt  }
0x65: {  	_ =	shalt  }
0x66: {  	_ =	shalt  }
0x67: {  	_ =	shalt  }
0x68: {  	_ =	shalt  }
0x69: {  	_ =	shalt  }
0x6a: {  	_ =	shalt  }
0x6b: {  	_ =	shalt  }
0x6c: {  	_ =	shalt  }
0x6d: {  	_ =	shalt  }
0x6e: {  	_ =	shalt  }
0x6f: {  	_ =	shalt  }
0x70: {  	_ =	shalt  }
0x71: {  	_ =	shalt  }
0x72: {  	_ =	shalt  }
0x73: {  	_ =	shalt  }
0x74: {  	_ =	shalt  }
0x75: {  	_ =	shalt  }
0x76: {  	_ =	shalt  }
0x77: {  	_ =	shalt  }
0x78: {  	_ =	shalt  }
0x79: {  	_ =	shalt  }
0x7a: {  	_ =	shalt  }
0x7b: {  	_ =	shalt  }
0x7c: {  	_ =	shalt  }
0x7d: {  	_ =	shalt  }
0x7e: {  	_ =	shalt  }
0x7f: {  	_ =	shalt  }
0x80: {  	_ =	shalt  }
0x81: {  	_ =	shalt  }
0x82: {  	_ =	shalt  }
0x83: {  	_ =	shalt  }
0x84: {  	_ =	shalt  }
0x85: {  	_ =	shalt  }
0x86: {  	_ =	shalt  }
0x87: {  	_ =	shalt  }
.Lfunc_end0:
.L_simem_size_0:
called_computation_lowered:
.L_overlay_start_0:
0x88: {  	s2 =	sld [smem:$0x3FD9]  }
0x89: {  	s3 =	sld [smem:$0x3FFE];
	_ =	sdelay $0x1  }
0x8a: {  	s1 =	srdreg.scid  }
0x8b: {  	s0 =	sand.u32 $0x1, s1  }
0x8c: {  	s17 =	sshll.u32 s0, $0xA;
	s2 =	sadd.s32 s3, s2  }
0x8d: {  	s2 =	sadd.s32 s2, s17  }
0x8e: {  	[smem:$0x3FC5] =	sst s2  }
0x8f: {  	_ = 	snop  }
0x90: {  	s2 =	sld [smem:$0x3FC8]  }
0x91: {  	s18 =	sld [smem:$0x3FC7];
	(tm) =	ssettm $0x1  }
0x92: {  	s4 =	sld [smem:$0x3FFB];
	_ =	sdelay $0x3  }
0x93: {  	_ =	strace s4  }
0x94: {  	s4 =	sld [smem:$0x3FFC];
	_ =	sdelay $0x3  }
0x95: {  	_ =	strace s4  }
0x96: {  	s4 =	sld [smem:$0x3FFD];
	_ =	sdelay $0x3  }
0x97: {  	_ =	strace s4  }
0x98: {  	_ =	strace $0x8FFFFFFF  }
0x99: {  	s19 =	sld [smem:$0x3FDB];
	_ =	sdelay $0x1  }
0x9a: {  	s5 =	simm.s32 $_scs_section_size  }
0x9b: {  	s6 =	simm.s32 $_size__tile_overlayer_lowered;
	s7 =	simm.s32 $_tile_overlayer_lowered  }
0x9c: {  	s22 =	simm.s32 $0x1BFF;
	s21 =	sshll.u32 s7, $0x1;
	s4 =	sadd.s32 s5, s19  }
0x9d: {  	s8 =	simm.s32 $0x0;
	s20 =	sshll.u32 s6, $0x1;
	s6 =	sadd.s32 s21, s4  }
0x9e: {  	[timem:s8], [sflag:s22] =	dma.local [hbm:s6], s20  }
0x9f: {  	_ =	swait.ge [sflag:s22], s20  }
0xa0: {  	s5 =	ssub.s32 $0x0, s20;
	[sflag:s22] =	ssyncset.done $0x0  }
0xa1: {  	[sflag:s22] =	ssyncadd.s32 s5;
	_ =	sdelay $0x1  }
0xa2: {  	s23 =	simm.s32 $0x1B8B  }
0xa3: {  	_ =	swait.ge [sflag:s23], $0x1  }
0xa4: {  	[sflag:s23] =	ssyncset.done $0x0  }
0xa5: {  	s25 =	simm.s32 $0x1B8E;
	s24 =	sld [smem:$0x3FFE];
	[sflag:s23] =	ssyncadd.s32 $0xFFFFFFFF  }
0xa6: {  	s26 =	simm.s32 $execute0_lowered;
	[smem:$0x3FD2] =	sst s25  }
0xa7: {  	s6 =	sshll.u32 s26, $0x1;
	_ =	strace $0x80000046;
	[dreg:$0x1] =	wrdreg $0xFFFFFFFF  }
0xa8: {  	s28 =	simm.s32 $_size_execute0_lowered;
	s4 =	sadd.s32 s4, s6;
	[dreg:$0x0] =	wrdreg $0x0  }
0xa9: {  	s6 =	sshll.u32 s28, $0x1;
	[dreg:$0x2] =	wrdreg s4  }
0xaa: {  	[dreg:$0x3] =	wrdreg s6  }
0xab: {  	[dreg:$0x4] =	wrdreg $0xC0  }
0xac: {  	_ =	task [dreg:s8], $0x5FFFF  }
0xad: {  	[dreg:$0x1] =	wrdreg $0xFFFFFFFF  }
0xae: {  	[dreg:$0x0] =	wrdreg $0x60  }
0xaf: {  	[dreg:$0x2] =	wrdreg s24  }
0xb0: {  	[dreg:$0x3] =	wrdreg s2  }
0xb1: {  	[dreg:$0x4] =	wrdreg s18  }
0xb2: {  	[dreg:$0x5] =	wrdreg $0x9  }
0xb3: {  	_ =	task.clear_ibuf [dreg:s8], $0x6FFFF;
	_ =	strace $0x90000046  }
0xb4: {  	s29 =	simm.s32 $0x9;
	_ =	strace $0x80000048  }
0xb5: {  	_ =	swait.ge [sflag:s29], $0x1  }
0xb6: {  	[sflag:s29] =	ssyncadd.s32 $0xFFFFFFFF  }
0xb7: {  	_ =	strace $0x90000048  }
0xb8: {  	_ =	sfence  }
0xb9: {  	s30 =	sld [smem:$0x0];
	_ =	sdelay $0x2  }
0xba: {  	s31 =	sshll.u32 s1, $0xD;
	s1 =	sshrl.u32 s1, $0x2  }
0xbb: {  	s3 =	sand.u32 $0x4000, s31;
	s1 =	sadd.s32 s1, s30  }
0xbc: {  	s0 =	sor.u32 s3, s0;
	s1 =	sshll.u32 s1, $0x11  }
0xbd: {  	s0 =	sor.u32 s1, s0  }
0xbe: {  	s0 =	sadd.s32 $0x8F2B, s0  }
0xbf: {  	[sflag:s0] =	ssyncadd.remote.s32 $0x1  }
0xc0: {  	_ =	sfence.sel $0xFFFF  }
0xc1: {  	[dreg:$0x0] =	wrdreg $0xFFFFFFFF;
	(pc) =	sbr.abs _section_cstart, $3  }
0xc2: {  	[dreg:$0x1] =	wrdreg $0xFFFFFFFF  }
0xc3: {  	_ =	task.clear_ibuf [dreg:s8], $0x2FFFF;
	_ =	strace $0x9FFFFFFF  }
0xc4: {  	(tm) =	ssettm $0x7FFFFFFF  }
0xc5: {  	_ =	shalt  }
tec
execute0_lowered:
.L_overlay_start_1:
0x0: {  	(tag) =	ssettag $0x1  }
0x1: {  	s6 =	rddreg [dreg:$0x0]  }
0x2: {  	s5 =	rddreg [dreg:$0x1]  }
0x3: {  	s4 =	rddreg [dreg:$0x2]  }
0x4: {  	s0 =	rddreg [dreg:$0x3];
	s3 =	srdreg.scid  }
0x5: {  	s1 =	stileid.u32;
	s2 =	simm.s32 $0x0;
	s13 =	simm.s32 $0x7000  }
0x6: {  	s3 =	sand.u32 $0x1, s3;
	s7 =	sshll.u32 s1, $0x1;
	[smem:$0x7FF] =	sst s2  }
0x7: {  	s14 =	simm.s32 $0x0;
	s7 =	sor.u32 s3, s7;
	_ =	strace $0x80000047  }
0x8: {  	s8 =	ssub.s32 $0x2, s3;
	s3 =	sadd.s32 $0x100000, s6;
	s31 =	sand.u32 $0x3, s7  }
0x9: {  	s9 =	sshrl.u32 s8, $0x1;
	s12 =	sshll.u32 s7, $0x12;
	s7 =	sshll.u32 s7, $0x1  }
0xa: {  	s10 =	sshll.u32 s31, $0x9;
	s11 =	smul.u32 $0x600, s31;
	s8 =	ssub.s32 s8, s9  }
0xb: {  	s6 =	sadd.s32 s6, s7;
	s9 =	simm.s32 $0x3;
	v0 =	vmov s12;
	s12 =	simm.s32 $0x1  }
0xc: {  	s4 =	sadd.s32 s4, s10;
	s7 =	smax.u32 s8, $0x1;
	s8 =	simm.s32 $0x6000  }
0xd: {  	s10 =	simm.s32 $0x600;
	s5 =	sadd.s32 s5, s11;
	s11 =	simm.s32 $0x2  }
.LBB2_1:
0xe: {  	[tilespmem:s8], [sflag:$0x2] =	stream.linear.gather [hbm4b:s4+s2], $0x1000, $0x38;
	[tilespmem:$0x7080] =	vst v63  }
0xf: {  	_ = 	snop  }
0x10: {  	[tilespmem:s2], [sflag:$0x3] =	stream.linear.gather [hbm4b:s5+s2], $0x3000, $0x38;
	[tilespmem:$0x7080] =	vst v63  }
0x11: {  	_ =	swait.ge [sflag:s9], $0x3000  }
0x12: {  	[sflag:s9] =	ssyncset.done $0x0  }
0x13: {  	s15 =	simm.s32 $0x0;
	s16 =	simm.s32 $0x0;
	[sflag:s9] =	ssyncadd.s32 $0xFFFFD000  }
.LBB2_2:
0x14: {  	s17 =	simm.s32 $0x0;
	s18 =	sadd.s32 $0x0, s15  }
0x15: {  	s18 =	sand.u32 $0x7F80, s18;
	s17 =	sand.u32 $0x60, s17  }
0x16: {  	s18 =	sor.u32 s17, s18  }
0x17: {  	v2 =	vld [tilespmem:s18+$0x0]  }
0x18: {  	v1 =	vld [tilespmem:s18+$0x10];
	_ =	sdelay $0x1  }
0x19: {  	s20 =	sadd.s32 $0x20, s15  }
0x1a: {  	s19 =	simm.s32 $0x20;
	s20 =	sand.u32 $0x7F80, s20  }
0x1b: {  	s21 =	sand.u32 $0x60, s19;
	s19 =	simm.s32 $0x40;
	s17 =	smul.u32 $0x600, s16;
	v2 =	vadd.s32 v0, v2  }
.LBB2_3:
0x1c: {  	p0 =	sne.s32 s19, $0x5E0;
	s20 =	sor.u32 s21, s20;
	[tilespmem:s18+$0x0] =	vst v2;
	v1 =	vadd.s32 v0, v1  }
0x1d: {  	v2 =	vld [tilespmem:s20+$0x0];
	[tilespmem:s18+$0x10] =	vst v1;
	s18 =	smov.u32 s20  }
.Ltmp0:
0x1e: {  	v1 =	vld [tilespmem:s18+$0x10];
	(pc) =	sbr.rel @p0 .LBB2_3-.Ltmp0, $3  }
0x1f: {  	_ =	sdelay $0x1  }
0x20: {  	s20 =	sadd.s32 s19, s15  }
0x21: {  	s21 =	sand.u32 $0x60, s19;
	s19 =	sadd.s32 $0x20, s19;
	s20 =	sand.u32 $0x7F80, s20;
	v2 =	vadd.s32 v0, v2  }
0x22: {  	s19 =	sor.u32 s21, s20;
	[tilespmem:s18+$0x0] =	vst v2;
	v1 =	vadd.s32 v0, v1  }
0x23: {  	v2 =	vld [tilespmem:s19+$0x0];
	[tilespmem:s18+$0x10] =	vst v1  }
0x24: {  	v1 =	vld [tilespmem:s19+$0x10]  }
0x25: {  	s16 =	sadd.s32 $0x1, s16  }
0x26: {  	p0 =	sne.s32 s16, $0x8  }
.Ltmp1:
0x27: {  	_ = 	snop;
	(pc) =	sbr.rel @p0 .LBB2_2-.Ltmp1, $4  }
0x28: {  	v2 =	vadd.s32 v0, v2  }
0x29: {  	[tilespmem:s19+$0x0] =	vst v2;
	v1 =	vadd.s32 v0, v1  }
0x2a: {  	s31 =	sadd.s32 $0x3000, s17;
	s15 =	sadd.s32 $0x600, s15;
	[tilespmem:s19+$0x10] =	vst v1  }
0x2b: {  	[tilespmem:s31], [sflag:$0x1] =	stream.indirect.gather [hbm4b:s3+s10], $0x1, s17, s10, $0xb8;
	[tilespmem:$0x7080] =	vst v63  }
0x2c: {  	_ =	swait.ge [sflag:s11], $0x1000  }
0x2d: {  	[sflag:s11] =	ssyncset.done $0x0  }
0x2e: {  	[sflag:s11] =	ssyncadd.s32 $0xFFFFF000  }
0x2f: {  	_ =	swait.ge [sflag:s12], $0x600  }
0x30: {  	[sflag:s12] =	ssyncset.done $0x0  }
0x31: {  	[sflag:s12] =	ssyncadd.s32 $0xFFFFFA00  }
0x32: {  	_ =	swait.ge [sflag:s12], $0x600  }
0x33: {  	[sflag:s12] =	ssyncset.done $0x0  }
0x34: {  	[sflag:s12] =	ssyncadd.s32 $0xFFFFFA00  }
0x35: {  	_ =	swait.ge [sflag:s12], $0x600  }
0x36: {  	[sflag:s12] =	ssyncset.done $0x0  }
0x37: {  	[sflag:s12] =	ssyncadd.s32 $0xFFFFFA00  }
0x38: {  	_ =	swait.ge [sflag:s12], $0x600  }
0x39: {  	[sflag:s12] =	ssyncset.done $0x0  }
0x3a: {  	[sflag:s12] =	ssyncadd.s32 $0xFFFFFA00  }
0x3b: {  	_ =	swait.ge [sflag:s12], $0x600  }
0x3c: {  	[sflag:s12] =	ssyncset.done $0x0  }
0x3d: {  	[sflag:s12] =	ssyncadd.s32 $0xFFFFFA00  }
0x3e: {  	_ =	swait.ge [sflag:s12], $0x600  }
0x3f: {  	[sflag:s12] =	ssyncset.done $0x0  }
0x40: {  	[sflag:s12] =	ssyncadd.s32 $0xFFFFFA00  }
0x41: {  	_ =	swait.ge [sflag:s12], $0x600  }
0x42: {  	[sflag:s12] =	ssyncset.done $0x0  }
0x43: {  	[sflag:s12] =	ssyncadd.s32 $0xFFFFFA00  }
0x44: {  	_ =	swait.ge [sflag:s12], $0x600  }
0x45: {  	[sflag:s12] =	ssyncset.done $0x0  }
0x46: {  	s15 =	simm.s32 $0x0;
	s16 =	simm.s32 $0x3000;
	[sflag:s12] =	ssyncadd.s32 $0xFFFFFA00  }
0x47: {  	s15 =	sand.u32 $0xFE0, s15;
	v1 =	vld [tilespmem:s16+$0x0]  }
0x48: {  	s17 =	simm.s32 $0x6010;
	v2 =	vld [tilespmem:s15+$0x4000]  }
0x49: {  	v3 =	vld [tilespmem:s17+$0xFFFFFFF0]  }
0x4a: {  	v4 =	vld [tilespmem:s15+$0x5000]  }
0x4b: {  	v5 =	vld [tilespmem:s16+$0x10]  }
0x4c: {  	v6 =	vld [tilespmem:s16+$0x1010]  }
0x4d: {  	v7 =	vld [tilespmem:s16+$0x2010]  }
0x4e: {  	s28 =	simm.s32 $0x20;
	s29 =	simm.s32 $0x3020;
	v8 =	vld [tilespmem:s17+$0x0]  }
0x4f: {  	s30 =	sand.u32 $0xFE0, s28;
	v9 =	vld [tilespmem:s29+$0x0]  }
0x50: {  	v10 =	vld [tilespmem:s30+$0x4000];
	v2 =	vsub.f32 v2, v1  }
0x51: {  	s15 =	simm.s32 $0x6030;
	v12 =	vld [tilespmem:s30+$0x5000];
	v1 =	vsub.f32 v4, v1;
	v4 =	vsub.f32 v6, v5  }
0x52: {  	v11 =	vld [tilespmem:s15+$0xFFFFFFF0];
	v2 =	vmul.f32 v3, v2  }
0x53: {  	v7 =	vsub.f32 v7, v5;
	v5 =	vld [tilespmem:s29+$0x1010];
	v4 =	vmul.f32 v8, v4  }
0x54: {  	v3 =	vld [tilespmem:s29+$0x10];
	v2 =	vsub.f32 v2, v1  }
0x55: {  	v6 =	vld [tilespmem:s29+$0x2010];
	v8 =	vsub.f32 v10, v9;
	v13 =	vsub.f32 v4, v7  }
0x56: {  	s31 =	simm.s32 $0x40;
	s16 =	simm.s32 $0x3040;
	v10 =	vsub.f32 v12, v9;
	v1 =	vimm.f32 $0.0e+00;
	v7 =	vld [tilespmem:s15+$0x0];
	v2 =	vand.u32 $0x7FFFFFFF, v2  }
0x57: {  	s18 =	sand.u32 $0xFE0, s31;
	s17 =	simm.s32 $0x60;
	v4 =	vld [tilespmem:s16+$0x0];
	v8 =	vmul.f32 v11, v8;
	v9 =	vand.u32 $0x7FFFFFFF, v13;
	v2 =	vadd.f32 v2, v1  }
.LBB2_6:
0x58: {  	p0 =	sne.s32 s17, $0xFE0;
	v11 =	vld [tilespmem:s18+$0x4000];
	s15 =	sadd.s32 $0x20, s15;
	v1 =	vadd.f32 v9, v1  }
0x59: {  	v9 =	vld [tilespmem:s15+$0xFFFFFFF0];
	v8 =	vsub.f32 v8, v10;
	v5 =	vsub.f32 v5, v3  }
0x5a: {  	v10 =	vld [tilespmem:s18+$0x5000];
	v12 =	vsub.f32 v6, v3  }
.Ltmp2:
0x5b: {  	v3 =	vld [tilespmem:s16+$0x10];
	v6 =	vand.u32 $0x7FFFFFFF, v8;
	v7 =	vmul.f32 v7, v5;
	(pc) =	sbr.rel @p0 .LBB2_6-.Ltmp2, $4  }
0x5c: {  	v5 =	vld [tilespmem:s16+$0x1010];
	v2 =	vadd.f32 v6, v2  }
0x5d: {  	v6 =	vld [tilespmem:s16+$0x2010];
	v8 =	vsub.f32 v11, v4;
	v11 =	vsub.f32 v7, v12  }
0x5e: {  	s16 =	sadd.s32 $0x20, s16;
	v7 =	vld [tilespmem:s15+$0x0]  }
0x5f: {  	s18 =	sand.u32 $0xFE0, s17;
	s17 =	sadd.s32 $0x20, s17;
	v8 =	vmul.f32 v9, v8;
	v10 =	vsub.f32 v10, v4;
	v4 =	vld [tilespmem:s16+$0x0];
	v9 =	vand.u32 $0x7FFFFFFF, v11  }
0x60: {  	v11 =	vld [tilespmem:s18+$0x4000]  }
0x61: {  	v13 =	vld [tilespmem:s18+$0x5000]  }
0x62: {  	v14 =	vld [tilespmem:s16+$0x10]  }
0x63: {  	v15 =	vld [tilespmem:s16+$0x1010]  }
0x64: {  	s15 =	sadd.s32 $0x20, s15;
	v16 =	vld [tilespmem:s16+$0x2010]  }
0x65: {  	v12 =	vld [tilespmem:s15+$0xFFFFFFF0]  }
0x66: {  	v5 =	vsub.f32 v5, v3;
	v17 =	vld [tilespmem:s15+$0x0];
	_ =	sdelay $0x1  }
0x67: {  	v8 =	vsub.f32 v8, v10;
	v3 =	vsub.f32 v6, v3;
	v5 =	vmul.f32 v7, v5  }
0x68: {  	v57 =	vsub.f32 v11, v4;
	v58 =	vsub.f32 v15, v14  }
0x69: {  	v3 =	vsub.f32 v5, v3;
	v60 =	vsub.f32 v13, v4  }
0x6a: {  	v61 =	vsub.f32 v16, v14;
	v59 =	vmul.f32 v12, v57;
	v7 =	vmul.f32 v17, v58  }
0x6b: {  	v1 =	vadd.f32 v9, v1;
	v8 =	vand.u32 $0x7FFFFFFF, v8  }
0x6c: {  	v3 =	vand.u32 $0x7FFFFFFF, v3;
	v4 =	vsub.f32 v59, v60;
	v62 =	vsub.f32 v7, v61  }
0x6d: {  	v2 =	vadd.f32 v8, v2;
	v1 =	vadd.f32 v3, v1  }
0x6e: {  	v3 =	vand.u32 $0x7FFFFFFF, v4;
	v63 =	vand.u32 $0x7FFFFFFF, v62  }
0x6f: {  	v2 =	vadd.f32 v3, v2;
	v1 =	vadd.f32 v63, v1;
	_ =	sdelay $0x1  }
0x70: {  	s14 =	sadd.s32 $0x1, s14;
	v1 =	vadd.f32 v1, v2  }
0x71: {  	p0 =	sne.s32 s14, s7  }
.Ltmp3:
0x72: {  	[tilespmem:$0x7000] =	vst v1;
	(pc) =	sbr.rel @p0 .LBB2_1-.Ltmp3, $4  }
0x73: {  	[hbm4b:s6+s2] =	stream.linear.scatter [tilespmem:s13], [sflag:$0x3], $0x10, $0x38;
	[tilespmem:$0x7080] =	vst v63  }
0x74: {  	_ =	swait.ge [sflag:s9], $0x10  }
0x75: {  	[sflag:s9] =	ssyncset.done $0x0  }
0x76: {  	[sflag:s9] =	ssyncadd.s32 $0xFFFFFFF0  }
0x77: {  	_ =	sfence.sel $0x180000  }
0x78: {  	[bflag:$0x0] =	sbarrier.arrive $0xFFFF  }
0x79: {  	p0 =	sne.s32 s1, $0x0;
	_ =	strace $0x90000047  }
0x7a: {  	s0 =	sadd.s32 @!p0 $0x100000, s0;
	[bflag:$0x2] =	sbarrier.arrive $0xFFFF  }
0x7b: {  	[sflag:s0] =	ssyncadd.tile.s32 @!p0 $0x1;
	_ =	shalt  }
.Lfunc_end2:
_tile_overlayer_lowered:
.L_overlay_start_2:
0x7c: {  	(tag) =	ssettag $0x2  }
0x7d: {  	s0 =	rddreg [dreg:$0x0];
	s2 =	stileid.u32  }
0x7e: {  	s1 =	rddreg [dreg:$0x1];
	p0 =	sne.s32 s2, $0x0  }
0x7f: {  	s3 =	rddreg [dreg:$0x2];
	[bflag:$0x3] =	sbarrier.arrive $0xFFFF;
	s2 =	simm.s32 @!p0 $0x1C03  }
0x80: {  	[timem:s3], [sflag:s2] =	dma.local @!p0 [hbm:s0], s1  }
0x81: {  	s0 =	simm.s32 @!p0 $0x3  }
0x82: {  	_ =	swait.ge @!p0 [sflag:s0], s1  }
0x83: {  	s1 =	ssub.s32 @!p0 $0x0, s1;
	[sflag:s0] =	ssyncset.done @!p0 $0x0  }
0x84: {  	[sflag:s0] =	ssyncadd.s32 @!p0 s1  }
0x85: {  	[bflag:$0x3] =	sbarrier.arrive $0xFFFF  }
0x86: {  	_ =	shalt  }

</sc_bundles>
